<compile_context>
chip_gen: v7x
topology: tpu7x:2x2x1
jax: 0.10.2.dev20260603
libtpu: 0.0.44.dev20260713+nightly
codegen_flags: <defaults>
</compile_context>

<pallas_src>
import functools

import jax
import jax.numpy as jnp
from jax import lax
from jax.experimental import pallas as pl
from jax.experimental.pallas import tpu as pltpu
from jax.experimental.pallas import tpu_sc as plsc

B = 1024
D = 4096
NC = 2
NS = 16
NW = NC * NS
BPW = B // NW
CH = 8
NCH = BPW // CH

_mesh = plsc.VectorSubcoreMesh(core_axis_name="c", subcore_axis_name="s")


@functools.partial(
    pl.kernel,
    mesh=_mesh,
    out_type=(
        jax.ShapeDtypeStruct((B, D), jnp.float32),
        jax.ShapeDtypeStruct((B, D), jnp.float32),
    ),
    scratch_types=[
        pltpu.VMEM((BPW,), jnp.int32),
        pltpu.VMEM((CH, D), jnp.float32),
        pltpu.VMEM((CH, D), jnp.float32),
        pltpu.SemaphoreType.DMA,
        pltpu.SemaphoreType.DMA,
        pltpu.SemaphoreType.DMA,
        pltpu.SemaphoreType.DMA,
        pltpu.SemaphoreType.DMA,
        pltpu.SemaphoreType.DMA,
    ],
)
def _gather_rows(idx_hbm, table_hbm, out1_hbm, out2_hbm, idx_v,
                 buf0, buf1, g0, g1, w00, w01, w10, w11):
    wid = lax.axis_index("s") * NC + lax.axis_index("c")
    base = wid * BPW
    pltpu.sync_copy(idx_hbm.at[pl.ds(base, BPW)], idx_v)
    bufs = (buf0, buf1)
    gsems = (g0, g1)
    wsems = ((w00, w01), (w10, w11))
    pend_g = {0: pltpu.async_copy(
        table_hbm.at[idx_v.at[pl.ds(0, CH)]], bufs[0], gsems[0])}
    pend_w = {}
    for g in range(NCH):
        if g + 1 < NCH:
            if g - 1 >= 0:
                for c in pend_w[g - 1]:
                    c.wait()
            pend_g[g + 1] = pltpu.async_copy(
                table_hbm.at[idx_v.at[pl.ds((g + 1) * CH, CH)]],
                bufs[(g + 1) % 2], gsems[(g + 1) % 2])
        pend_g[g].wait()
        rows = pl.ds(base + g * CH, CH)
        pend_w[g] = (
            pltpu.async_copy(bufs[g % 2], out1_hbm.at[rows], wsems[g % 2][0]),
            pltpu.async_copy(bufs[g % 2], out2_hbm.at[rows], wsems[g % 2][1]),
        )
    for g in (NCH - 2, NCH - 1):
        for c in pend_w[g]:
            c.wait()


def kernel(x, table):
    out1, out2 = _gather_rows(x[:, 0], table)
    return (out1, out2)

# --- scband reference (transcript-rebuilt; emitter-appended) ---
"""Pipeline reference for scband-sim-embedding-84293028151975 (READ-ONLY COPY).

The authoritative reference and input builder live on the scoring server;
editing this copy changes nothing except your own understanding.
"""

import jax, jax.numpy as jnp
import numpy as np

VOCAB = 32000
EMBED_DIM = 4096
BATCH = 1024
SEQ = 20

def setup_inputs(seed: int = 0) -> dict:
    key = jax.random.key(seed)
    k1, k2 = jax.random.split(key)
    x = jax.random.randint(k1, (BATCH, SEQ), 0, VOCAB, dtype=jnp.int64 if jax.config.jax_enable_x64 else jnp.int32)
    table = jax.random.normal(k2, (VOCAB, EMBED_DIM), dtype=jnp.float32) * 0.02
    return {"x": x, "table": table}

def reference(x, table):
    # nn.Embedding lookup -> gather rows of the table
    emb = jnp.take(table, x, axis=0)          # [B, S, D]
    # sentence_transformers models.Pooling(4096, pooling_mode_cls_token=True):
    # sentence_embedding = token_embeddings[:, 0]
    sent = emb[:, 0, :]                        # [B, D]
    # nn.Dropout in inference mode is identity; two identical dropout calls
    output1 = sent
    output2 = sent
    return (output1, output2)

if __name__ == "__main__":
    import jax
    _d = setup_inputs()
    print(jax.jit(kernel)(*tuple(_d.values())))

</pallas_src>

<mosaic_0001>
#map = affine_map<(d0, d1) -> (0)>
#map1 = affine_map<(d0, d1) -> (0, 0)>
module attributes {stable_mosaic.version = 14 : i64} {
  func.func @_gather_rows(%arg0: i32, %arg1: i32, %arg2: memref<1024xi32, #tpu.memory_space<hbm>>, %arg3: memref<32000x4096xf32, #tpu.memory_space<hbm>>, %arg4: memref<1024x4096xf32, #tpu.memory_space<hbm>>, %arg5: memref<1024x4096xf32, #tpu.memory_space<hbm>>, %arg6: memref<32xi32, #tpu.memory_space<vmem>>, %arg7: memref<8x4096xf32, #tpu.memory_space<vmem>>, %arg8: memref<8x4096xf32, #tpu.memory_space<vmem>>, %arg9: memref<!tpu.dma_semaphore, #tpu.memory_space<semaphore_mem>>, %arg10: memref<!tpu.dma_semaphore, #tpu.memory_space<semaphore_mem>>, %arg11: memref<!tpu.dma_semaphore, #tpu.memory_space<semaphore_mem>>, %arg12: memref<!tpu.dma_semaphore, #tpu.memory_space<semaphore_mem>>, %arg13: memref<!tpu.dma_semaphore, #tpu.memory_space<semaphore_mem>>, %arg14: memref<!tpu.dma_semaphore, #tpu.memory_space<semaphore_mem>>) attributes {dimension_semantics = [#tpu.dimension_semantics<core_parallel>, #tpu.dimension_semantics<subcore_parallel>], iteration_bounds = array<i64: 2, 16>, scalar_prefetch = 0 : i64, scratch_operands = 9 : i64, tpu.core_type = #tpu.core_type<sc_vector_subcore>, window_params = [{transform_indices = #map}, {transform_indices = #map1}, {transform_indices = #map1}, {transform_indices = #map1}]} {
    %mul3A = arith.constant 2 : i32
    %mul3A_0 = arith.muli %arg1, %mul3A : i32
    %add3A = arith.addi %mul3A_0, %arg0 : i32
    %mul3A_1 = arith.constant 32 : i32
    %mul3A_2 = arith.muli %add3A, %mul3A_1 : i32
    "tpu.region"() ({
      %run_scoped3A = tpu.sem_alloc : memref<!tpu.dma_semaphore, #tpu.memory_space<semaphore_mem>>
      %dma_start3A_113 = tpu.memref_slice %arg2[%mul3A_2] : memref<1024xi32, #tpu.memory_space<hbm>> -> memref<32xi32, #tpu.memory_space<hbm>>
      %dma_start3A_114 = tpu.memref_slice %arg2[%mul3A_2] : memref<1024xi32, #tpu.memory_space<hbm>> -> memref<32xi32, #tpu.memory_space<hbm>>
      tpu.enqueue_dma source(%dma_start3A_114 : memref<32xi32, #tpu.memory_space<hbm>>) target(%arg6 : memref<32xi32, #tpu.memory_space<vmem>>) target_semaphore(%run_scoped3A : memref<!tpu.dma_semaphore, #tpu.memory_space<semaphore_mem>>)
      %dma_wait3A_115 = tpu.memref_slice %arg2[%mul3A_2] : memref<1024xi32, #tpu.memory_space<hbm>> -> memref<32xi32, #tpu.memory_space<hbm>>
      %dma_wait3A_116 = tpu.memref_slice %arg2[%mul3A_2] : memref<1024xi32, #tpu.memory_space<hbm>> -> memref<32xi32, #tpu.memory_space<hbm>>
      tpu.wait_dma2 semaphore(%run_scoped3A : memref<!tpu.dma_semaphore, #tpu.memory_space<semaphore_mem>>) src(%dma_wait3A_116 : memref<32xi32, #tpu.memory_space<hbm>>) dst(%arg6 : memref<32xi32, #tpu.memory_space<vmem>>)
      tpu.yield
    }) : () -> ()
    %dma_start3A = arith.constant 0 : i32
    %dma_start3A_3 = tpu.memref_slice %arg6[%dma_start3A] : memref<32xi32, #tpu.memory_space<vmem>> -> memref<8xi32, #tpu.memory_space<vmem>>
    %dma_start3A_4 = arith.constant 0 : i32
    %dma_start3A_5 = arith.constant 0 : i32
    %dma_start3A_6 = tpu.memref_slice %arg3[%dma_start3A_4, %dma_start3A_5] : memref<32000x4096xf32, #tpu.memory_space<hbm>> -> memref<32000x4096xf32, #tpu.memory_space<hbm>>
    tpu.enqueue_indirect_dma source(%dma_start3A_6 : memref<32000x4096xf32, #tpu.memory_space<hbm>>) target(%arg7 : memref<8x4096xf32, #tpu.memory_space<vmem>>) offsets(%dma_start3A_3 : memref<8xi32, #tpu.memory_space<vmem>>) semaphore(%arg9 : memref<!tpu.dma_semaphore, #tpu.memory_space<semaphore_mem>>)
    %dma_start3A_7 = arith.constant 8 : i32
    %dma_start3A_8 = tpu.memref_slice %arg6[%dma_start3A_7] : memref<32xi32, #tpu.memory_space<vmem>> -> memref<8xi32, #tpu.memory_space<vmem>>
    %dma_start3A_9 = arith.constant 0 : i32
    %dma_start3A_10 = arith.constant 0 : i32
    %dma_start3A_11 = tpu.memref_slice %arg3[%dma_start3A_9, %dma_start3A_10] : memref<32000x4096xf32, #tpu.memory_space<hbm>> -> memref<32000x4096xf32, #tpu.memory_space<hbm>>
    tpu.enqueue_indirect_dma source(%dma_start3A_11 : memref<32000x4096xf32, #tpu.memory_space<hbm>>) target(%arg8 : memref<8x4096xf32, #tpu.memory_space<vmem>>) offsets(%dma_start3A_8 : memref<8xi32, #tpu.memory_space<vmem>>) semaphore(%arg10 : memref<!tpu.dma_semaphore, #tpu.memory_space<semaphore_mem>>)
    %dma_wait3A = arith.constant 0 : i32
    %dma_wait3A_12 = tpu.memref_slice %arg6[%dma_wait3A] : memref<32xi32, #tpu.memory_space<vmem>> -> memref<8xi32, #tpu.memory_space<vmem>>
    %dma_wait3A_13 = arith.constant 0 : i32
    %dma_wait3A_14 = arith.constant 0 : i32
    %dma_wait3A_15 = tpu.memref_slice %arg3[%dma_wait3A_13, %dma_wait3A_14] : memref<32000x4096xf32, #tpu.memory_space<hbm>> -> memref<32000x4096xf32, #tpu.memory_space<hbm>>
    tpu.wait_indirect_dma semaphore(%arg9 : memref<!tpu.dma_semaphore, #tpu.memory_space<semaphore_mem>>) src(%dma_wait3A_15 : memref<32000x4096xf32, #tpu.memory_space<hbm>>) dst(%arg7 : memref<8x4096xf32, #tpu.memory_space<vmem>>)
    %add3A_16 = arith.constant 0 : i32
    %add3A_17 = arith.addi %mul3A_2, %add3A_16 : i32
    %dma_start3A_18 = arith.constant 0 : i32
    %dma_start3A_19 = tpu.memref_slice %arg4[%add3A_17, %dma_start3A_18] : memref<1024x4096xf32, #tpu.memory_space<hbm>> -> memref<8x4096xf32, #tpu.memory_space<hbm>>
    %dma_start3A_20 = arith.constant 0 : i32
    %dma_start3A_21 = tpu.memref_slice %arg4[%add3A_17, %dma_start3A_20] : memref<1024x4096xf32, #tpu.memory_space<hbm>> -> memref<8x4096xf32, #tpu.memory_space<hbm>>
    tpu.enqueue_dma source(%arg7 : memref<8x4096xf32, #tpu.memory_space<vmem>>) target(%dma_start3A_21 : memref<8x4096xf32, #tpu.memory_space<hbm>>) target_semaphore(%arg11 : memref<!tpu.dma_semaphore, #tpu.memory_space<semaphore_mem>>)
    %dma_start3A_22 = arith.constant 0 : i32
    %dma_start3A_23 = tpu.memref_slice %arg5[%add3A_17, %dma_start3A_22] : memref<1024x4096xf32, #tpu.memory_space<hbm>> -> memref<8x4096xf32, #tpu.memory_space<hbm>>
    %dma_start3A_24 = arith.constant 0 : i32
    %dma_start3A_25 = tpu.memref_slice %arg5[%add3A_17, %dma_start3A_24] : memref<1024x4096xf32, #tpu.memory_space<hbm>> -> memref<8x4096xf32, #tpu.memory_space<hbm>>
    tpu.enqueue_dma source(%arg7 : memref<8x4096xf32, #tpu.memory_space<vmem>>) target(%dma_start3A_25 : memref<8x4096xf32, #tpu.memory_space<hbm>>) target_semaphore(%arg12 : memref<!tpu.dma_semaphore, #tpu.memory_space<semaphore_mem>>)
    %dma_wait3A_26 = arith.constant 0 : i32
    %dma_wait3A_27 = tpu.memref_slice %arg4[%add3A_17, %dma_wait3A_26] : memref<1024x4096xf32, #tpu.memory_space<hbm>> -> memref<8x4096xf32, #tpu.memory_space<hbm>>
    %dma_wait3A_28 = arith.constant 0 : i32
    %dma_wait3A_29 = tpu.memref_slice %arg4[%add3A_17, %dma_wait3A_28] : memref<1024x4096xf32, #tpu.memory_space<hbm>> -> memref<8x4096xf32, #tpu.memory_space<hbm>>
    tpu.wait_dma2 semaphore(%arg11 : memref<!tpu.dma_semaphore, #tpu.memory_space<semaphore_mem>>) src(%arg7 : memref<8x4096xf32, #tpu.memory_space<vmem>>) dst(%dma_wait3A_29 : memref<8x4096xf32, #tpu.memory_space<hbm>>)
    %dma_wait3A_30 = arith.constant 0 : i32
    %dma_wait3A_31 = tpu.memref_slice %arg5[%add3A_17, %dma_wait3A_30] : memref<1024x4096xf32, #tpu.memory_space<hbm>> -> memref<8x4096xf32, #tpu.memory_space<hbm>>
    %dma_wait3A_32 = arith.constant 0 : i32
    %dma_wait3A_33 = tpu.memref_slice %arg5[%add3A_17, %dma_wait3A_32] : memref<1024x4096xf32, #tpu.memory_space<hbm>> -> memref<8x4096xf32, #tpu.memory_space<hbm>>
    tpu.wait_dma2 semaphore(%arg12 : memref<!tpu.dma_semaphore, #tpu.memory_space<semaphore_mem>>) src(%arg7 : memref<8x4096xf32, #tpu.memory_space<vmem>>) dst(%dma_wait3A_33 : memref<8x4096xf32, #tpu.memory_space<hbm>>)
    %dma_start3A_34 = arith.constant 16 : i32
    %dma_start3A_35 = tpu.memref_slice %arg6[%dma_start3A_34] : memref<32xi32, #tpu.memory_space<vmem>> -> memref<8xi32, #tpu.memory_space<vmem>>
    %dma_start3A_36 = arith.constant 0 : i32
    %dma_start3A_37 = arith.constant 0 : i32
    %dma_start3A_38 = tpu.memref_slice %arg3[%dma_start3A_36, %dma_start3A_37] : memref<32000x4096xf32, #tpu.memory_space<hbm>> -> memref<32000x4096xf32, #tpu.memory_space<hbm>>
    tpu.enqueue_indirect_dma source(%dma_start3A_38 : memref<32000x4096xf32, #tpu.memory_space<hbm>>) target(%arg7 : memref<8x4096xf32, #tpu.memory_space<vmem>>) offsets(%dma_start3A_35 : memref<8xi32, #tpu.memory_space<vmem>>) semaphore(%arg9 : memref<!tpu.dma_semaphore, #tpu.memory_space<semaphore_mem>>)
    %dma_wait3A_39 = arith.constant 8 : i32
    %dma_wait3A_40 = tpu.memref_slice %arg6[%dma_wait3A_39] : memref<32xi32, #tpu.memory_space<vmem>> -> memref<8xi32, #tpu.memory_space<vmem>>
    %dma_wait3A_41 = arith.constant 0 : i32
    %dma_wait3A_42 = arith.constant 0 : i32
    %dma_wait3A_43 = tpu.memref_slice %arg3[%dma_wait3A_41, %dma_wait3A_42] : memref<32000x4096xf32, #tpu.memory_space<hbm>> -> memref<32000x4096xf32, #tpu.memory_space<hbm>>
    tpu.wait_indirect_dma semaphore(%arg10 : memref<!tpu.dma_semaphore, #tpu.memory_space<semaphore_mem>>) src(%dma_wait3A_43 : memref<32000x4096xf32, #tpu.memory_space<hbm>>) dst(%arg8 : memref<8x4096xf32, #tpu.memory_space<vmem>>)
    %add3A_44 = arith.constant 8 : i32
    %add3A_45 = arith.addi %mul3A_2, %add3A_44 : i32
    %dma_start3A_46 = arith.constant 0 : i32
    %dma_start3A_47 = tpu.memref_slice %arg4[%add3A_45, %dma_start3A_46] : memref<1024x4096xf32, #tpu.memory_space<hbm>> -> memref<8x4096xf32, #tpu.memory_space<hbm>>
    %dma_start3A_48 = arith.constant 0 : i32
    %dma_start3A_49 = tpu.memref_slice %arg4[%add3A_45, %dma_start3A_48] : memref<1024x4096xf32, #tpu.memory_space<hbm>> -> memref<8x4096xf32, #tpu.memory_space<hbm>>
    tpu.enqueue_dma source(%arg8 : memref<8x4096xf32, #tpu.memory_space<vmem>>) target(%dma_start3A_49 : memref<8x4096xf32, #tpu.memory_space<hbm>>) target_semaphore(%arg13 : memref<!tpu.dma_semaphore, #tpu.memory_space<semaphore_mem>>)
    %dma_start3A_50 = arith.constant 0 : i32
    %dma_start3A_51 = tpu.memref_slice %arg5[%add3A_45, %dma_start3A_50] : memref<1024x4096xf32, #tpu.memory_space<hbm>> -> memref<8x4096xf32, #tpu.memory_space<hbm>>
    %dma_start3A_52 = arith.constant 0 : i32
    %dma_start3A_53 = tpu.memref_slice %arg5[%add3A_45, %dma_start3A_52] : memref<1024x4096xf32, #tpu.memory_space<hbm>> -> memref<8x4096xf32, #tpu.memory_space<hbm>>
    tpu.enqueue_dma source(%arg8 : memref<8x4096xf32, #tpu.memory_space<vmem>>) target(%dma_start3A_53 : memref<8x4096xf32, #tpu.memory_space<hbm>>) target_semaphore(%arg14 : memref<!tpu.dma_semaphore, #tpu.memory_space<semaphore_mem>>)
    %dma_wait3A_54 = arith.constant 0 : i32
    %dma_wait3A_55 = tpu.memref_slice %arg4[%add3A_45, %dma_wait3A_54] : memref<1024x4096xf32, #tpu.memory_space<hbm>> -> memref<8x4096xf32, #tpu.memory_space<hbm>>
    %dma_wait3A_56 = arith.constant 0 : i32
    %dma_wait3A_57 = tpu.memref_slice %arg4[%add3A_45, %dma_wait3A_56] : memref<1024x4096xf32, #tpu.memory_space<hbm>> -> memref<8x4096xf32, #tpu.memory_space<hbm>>
    tpu.wait_dma2 semaphore(%arg13 : memref<!tpu.dma_semaphore, #tpu.memory_space<semaphore_mem>>) src(%arg8 : memref<8x4096xf32, #tpu.memory_space<vmem>>) dst(%dma_wait3A_57 : memref<8x4096xf32, #tpu.memory_space<hbm>>)
    %dma_wait3A_58 = arith.constant 0 : i32
    %dma_wait3A_59 = tpu.memref_slice %arg5[%add3A_45, %dma_wait3A_58] : memref<1024x4096xf32, #tpu.memory_space<hbm>> -> memref<8x4096xf32, #tpu.memory_space<hbm>>
    %dma_wait3A_60 = arith.constant 0 : i32
    %dma_wait3A_61 = tpu.memref_slice %arg5[%add3A_45, %dma_wait3A_60] : memref<1024x4096xf32, #tpu.memory_space<hbm>> -> memref<8x4096xf32, #tpu.memory_space<hbm>>
    tpu.wait_dma2 semaphore(%arg14 : memref<!tpu.dma_semaphore, #tpu.memory_space<semaphore_mem>>) src(%arg8 : memref<8x4096xf32, #tpu.memory_space<vmem>>) dst(%dma_wait3A_61 : memref<8x4096xf32, #tpu.memory_space<hbm>>)
    %dma_start3A_62 = arith.constant 24 : i32
    %dma_start3A_63 = tpu.memref_slice %arg6[%dma_start3A_62] : memref<32xi32, #tpu.memory_space<vmem>> -> memref<8xi32, #tpu.memory_space<vmem>>
    %dma_start3A_64 = arith.constant 0 : i32
    %dma_start3A_65 = arith.constant 0 : i32
    %dma_start3A_66 = tpu.memref_slice %arg3[%dma_start3A_64, %dma_start3A_65] : memref<32000x4096xf32, #tpu.memory_space<hbm>> -> memref<32000x4096xf32, #tpu.memory_space<hbm>>
    tpu.enqueue_indirect_dma source(%dma_start3A_66 : memref<32000x4096xf32, #tpu.memory_space<hbm>>) target(%arg8 : memref<8x4096xf32, #tpu.memory_space<vmem>>) offsets(%dma_start3A_63 : memref<8xi32, #tpu.memory_space<vmem>>) semaphore(%arg10 : memref<!tpu.dma_semaphore, #tpu.memory_space<semaphore_mem>>)
    %dma_wait3A_67 = arith.constant 16 : i32
    %dma_wait3A_68 = tpu.memref_slice %arg6[%dma_wait3A_67] : memref<32xi32, #tpu.memory_space<vmem>> -> memref<8xi32, #tpu.memory_space<vmem>>
    %dma_wait3A_69 = arith.constant 0 : i32
    %dma_wait3A_70 = arith.constant 0 : i32
    %dma_wait3A_71 = tpu.memref_slice %arg3[%dma_wait3A_69, %dma_wait3A_70] : memref<32000x4096xf32, #tpu.memory_space<hbm>> -> memref<32000x4096xf32, #tpu.memory_space<hbm>>
    tpu.wait_indirect_dma semaphore(%arg9 : memref<!tpu.dma_semaphore, #tpu.memory_space<semaphore_mem>>) src(%dma_wait3A_71 : memref<32000x4096xf32, #tpu.memory_space<hbm>>) dst(%arg7 : memref<8x4096xf32, #tpu.memory_space<vmem>>)
    %add3A_72 = arith.constant 16 : i32
    %add3A_73 = arith.addi %mul3A_2, %add3A_72 : i32
    %dma_start3A_74 = arith.constant 0 : i32
    %dma_start3A_75 = tpu.memref_slice %arg4[%add3A_73, %dma_start3A_74] : memref<1024x4096xf32, #tpu.memory_space<hbm>> -> memref<8x4096xf32, #tpu.memory_space<hbm>>
    %dma_start3A_76 = arith.constant 0 : i32
    %dma_start3A_77 = tpu.memref_slice %arg4[%add3A_73, %dma_start3A_76] : memref<1024x4096xf32, #tpu.memory_space<hbm>> -> memref<8x4096xf32, #tpu.memory_space<hbm>>
    tpu.enqueue_dma source(%arg7 : memref<8x4096xf32, #tpu.memory_space<vmem>>) target(%dma_start3A_77 : memref<8x4096xf32, #tpu.memory_space<hbm>>) target_semaphore(%arg11 : memref<!tpu.dma_semaphore, #tpu.memory_space<semaphore_mem>>)
    %dma_start3A_78 = arith.constant 0 : i32
    %dma_start3A_79 = tpu.memref_slice %arg5[%add3A_73, %dma_start3A_78] : memref<1024x4096xf32, #tpu.memory_space<hbm>> -> memref<8x4096xf32, #tpu.memory_space<hbm>>
    %dma_start3A_80 = arith.constant 0 : i32
    %dma_start3A_81 = tpu.memref_slice %arg5[%add3A_73, %dma_start3A_80] : memref<1024x4096xf32, #tpu.memory_space<hbm>> -> memref<8x4096xf32, #tpu.memory_space<hbm>>
    tpu.enqueue_dma source(%arg7 : memref<8x4096xf32, #tpu.memory_space<vmem>>) target(%dma_start3A_81 : memref<8x4096xf32, #tpu.memory_space<hbm>>) target_semaphore(%arg12 : memref<!tpu.dma_semaphore, #tpu.memory_space<semaphore_mem>>)
    %dma_wait3A_82 = arith.constant 24 : i32
    %dma_wait3A_83 = tpu.memref_slice %arg6[%dma_wait3A_82] : memref<32xi32, #tpu.memory_space<vmem>> -> memref<8xi32, #tpu.memory_space<vmem>>
    %dma_wait3A_84 = arith.constant 0 : i32
    %dma_wait3A_85 = arith.constant 0 : i32
    %dma_wait3A_86 = tpu.memref_slice %arg3[%dma_wait3A_84, %dma_wait3A_85] : memref<32000x4096xf32, #tpu.memory_space<hbm>> -> memref<32000x4096xf32, #tpu.memory_space<hbm>>
    tpu.wait_indirect_dma semaphore(%arg10 : memref<!tpu.dma_semaphore, #tpu.memory_space<semaphore_mem>>) src(%dma_wait3A_86 : memref<32000x4096xf32, #tpu.memory_space<hbm>>) dst(%arg8 : memref<8x4096xf32, #tpu.memory_space<vmem>>)
    %add3A_87 = arith.constant 24 : i32
    %add3A_88 = arith.addi %mul3A_2, %add3A_87 : i32
    %dma_start3A_89 = arith.constant 0 : i32
    %dma_start3A_90 = tpu.memref_slice %arg4[%add3A_88, %dma_start3A_89] : memref<1024x4096xf32, #tpu.memory_space<hbm>> -> memref<8x4096xf32, #tpu.memory_space<hbm>>
    %dma_start3A_91 = arith.constant 0 : i32
    %dma_start3A_92 = tpu.memref_slice %arg4[%add3A_88, %dma_start3A_91] : memref<1024x4096xf32, #tpu.memory_space<hbm>> -> memref<8x4096xf32, #tpu.memory_space<hbm>>
    tpu.enqueue_dma source(%arg8 : memref<8x4096xf32, #tpu.memory_space<vmem>>) target(%dma_start3A_92 : memref<8x4096xf32, #tpu.memory_space<hbm>>) target_semaphore(%arg13 : memref<!tpu.dma_semaphore, #tpu.memory_space<semaphore_mem>>)
    %dma_start3A_93 = arith.constant 0 : i32
    %dma_start3A_94 = tpu.memref_slice %arg5[%add3A_88, %dma_start3A_93] : memref<1024x4096xf32, #tpu.memory_space<hbm>> -> memref<8x4096xf32, #tpu.memory_space<hbm>>
    %dma_start3A_95 = arith.constant 0 : i32
    %dma_start3A_96 = tpu.memref_slice %arg5[%add3A_88, %dma_start3A_95] : memref<1024x4096xf32, #tpu.memory_space<hbm>> -> memref<8x4096xf32, #tpu.memory_space<hbm>>
    tpu.enqueue_dma source(%arg8 : memref<8x4096xf32, #tpu.memory_space<vmem>>) target(%dma_start3A_96 : memref<8x4096xf32, #tpu.memory_space<hbm>>) target_semaphore(%arg14 : memref<!tpu.dma_semaphore, #tpu.memory_space<semaphore_mem>>)
    %dma_wait3A_97 = arith.constant 0 : i32
    %dma_wait3A_98 = tpu.memref_slice %arg4[%add3A_73, %dma_wait3A_97] : memref<1024x4096xf32, #tpu.memory_space<hbm>> -> memref<8x4096xf32, #tpu.memory_space<hbm>>
    %dma_wait3A_99 = arith.constant 0 : i32
    %dma_wait3A_100 = tpu.memref_slice %arg4[%add3A_73, %dma_wait3A_99] : memref<1024x4096xf32, #tpu.memory_space<hbm>> -> memref<8x4096xf32, #tpu.memory_space<hbm>>
    tpu.wait_dma2 semaphore(%arg11 : memref<!tpu.dma_semaphore, #tpu.memory_space<semaphore_mem>>) src(%arg7 : memref<8x4096xf32, #tpu.memory_space<vmem>>) dst(%dma_wait3A_100 : memref<8x4096xf32, #tpu.memory_space<hbm>>)
    %dma_wait3A_101 = arith.constant 0 : i32
    %dma_wait3A_102 = tpu.memref_slice %arg5[%add3A_73, %dma_wait3A_101] : memref<1024x4096xf32, #tpu.memory_space<hbm>> -> memref<8x4096xf32, #tpu.memory_space<hbm>>
    %dma_wait3A_103 = arith.constant 0 : i32
    %dma_wait3A_104 = tpu.memref_slice %arg5[%add3A_73, %dma_wait3A_103] : memref<1024x4096xf32, #tpu.memory_space<hbm>> -> memref<8x4096xf32, #tpu.memory_space<hbm>>
    tpu.wait_dma2 semaphore(%arg12 : memref<!tpu.dma_semaphore, #tpu.memory_space<semaphore_mem>>) src(%arg7 : memref<8x4096xf32, #tpu.memory_space<vmem>>) dst(%dma_wait3A_104 : memref<8x4096xf32, #tpu.memory_space<hbm>>)
    %dma_wait3A_105 = arith.constant 0 : i32
    %dma_wait3A_106 = tpu.memref_slice %arg4[%add3A_88, %dma_wait3A_105] : memref<1024x4096xf32, #tpu.memory_space<hbm>> -> memref<8x4096xf32, #tpu.memory_space<hbm>>
    %dma_wait3A_107 = arith.constant 0 : i32
    %dma_wait3A_108 = tpu.memref_slice %arg4[%add3A_88, %dma_wait3A_107] : memref<1024x4096xf32, #tpu.memory_space<hbm>> -> memref<8x4096xf32, #tpu.memory_space<hbm>>
    tpu.wait_dma2 semaphore(%arg13 : memref<!tpu.dma_semaphore, #tpu.memory_space<semaphore_mem>>) src(%arg8 : memref<8x4096xf32, #tpu.memory_space<vmem>>) dst(%dma_wait3A_108 : memref<8x4096xf32, #tpu.memory_space<hbm>>)
    %dma_wait3A_109 = arith.constant 0 : i32
    %dma_wait3A_110 = tpu.memref_slice %arg5[%add3A_88, %dma_wait3A_109] : memref<1024x4096xf32, #tpu.memory_space<hbm>> -> memref<8x4096xf32, #tpu.memory_space<hbm>>
    %dma_wait3A_111 = arith.constant 0 : i32
    %dma_wait3A_112 = tpu.memref_slice %arg5[%add3A_88, %dma_wait3A_111] : memref<1024x4096xf32, #tpu.memory_space<hbm>> -> memref<8x4096xf32, #tpu.memory_space<hbm>>
    tpu.wait_dma2 semaphore(%arg14 : memref<!tpu.dma_semaphore, #tpu.memory_space<semaphore_mem>>) src(%arg8 : memref<8x4096xf32, #tpu.memory_space<vmem>>) dst(%dma_wait3A_112 : memref<8x4096xf32, #tpu.memory_space<hbm>>)
    return
  }
}

</mosaic_0001>

<sc_bundles>
// kernel: kernel.3.cloned.1.call-start
scs
__scs_entry_jumppad:
0x0: {  	(pc) =	sbr.rel $0x88, $3  }
0x1: {  	(tag) =	ssettag $0x0;
	lr =	simm.s32 $0x1  }
0x2: {  	[smem:$0x3F9F] =	sst lr;
	_ =	strace $0xD0000000  }
0x3: {  	_ = 	snop  }
0x4: {  	_ = 	snop  }
0x5: {  	_ = 	snop  }
0x6: {  	_ = 	snop  }
0x7: {  	_ = 	snop  }
__scs_overlays_trampoline_lowered:
0x8: {  	[smem:$0x3FAE] =	sst s0  }
0x9: {  	[smem:$0x3FAF] =	sst s1  }
0xa: {  	[smem:$0x3FB0] =	sst s2  }
0xb: {  	[smem:$0x3FB1] =	sst s3  }
0xc: {  	[smem:$0x3FB2] =	sst s4  }
0xd: {  	[smem:$0x3FB3] =	sst s5  }
0xe: {  	[smem:$0x3FB4] =	sst s6  }
0xf: {  	[smem:$0x3FB5] =	sst s7  }
0x10: {  	[smem:$0x3FB6] =	sst s8  }
0x11: {  	[smem:$0x3FB7] =	sst s9;
	s0 =	simm.s32 @!p0 $0x0  }
0x12: {  	s1 =	sld [smem:$0x3F9D];
	s0 =	simm.s32 @p0 $0x1  }
0x13: {  	[smem:$0x3FB8] =	sst s0;
	s0 =	simm.s32 @!p1 $0x0  }
0x14: {  	s2 =	sld [smem:$0x3F9C];
	s0 =	simm.s32 @p1 $0x1  }
0x15: {  	[smem:$0x3FB9] =	sst s0;
	s0 =	simm.s32 @!p2 $0x0  }
0x16: {  	s3 =	sld [smem:$0x3FDB];
	s0 =	simm.s32 @p2 $0x1  }
0x17: {  	s4 =	simm.s32 $0x1BF5;
	[smem:$0x3FBB] =	sst s0  }
0x18: {  	s0 =	sld [smem:$0x3F9E];
	_ =	swait.ge [sflag:s4], $0x0  }
0x19: {  	s7 =	sld [smem:$0x3F9F]  }
0x1a: {  	s8 =	sadd.s32 $0xFFFFE003, lr  }
0x1b: {  	s9 =	sadd.s32 $0xFFFFFEF7, lr;
	s5 =	simm.s32 $0xFFFFFFFF;
	p2 =	slt.u32 s8, $0xFFFFF086  }
0x1c: {  	p1 =	slt.u32 s9, $0xF7A;
	s5 =	simm.s32 @!p2 $0x0  }
0x1d: {  	s5 =	simm.s32 @p1 $0x1;
	p0 =	seq.s32 s7, s2  }
0x1e: {  	s7 =	smul.u32 @!p0 $0xF7A, s2;
	p2 =	seq.s32 @!p0 s5, $0x0  }
0x1f: {  	s9 =	smul.u32 $0xF7A, s1;
	s8 =	simm.s32 @!p0 $0x1BF5;
	p2 =	por !p2, p0  }
0x20: {  	[sflag:s8] =	ssyncset.s32 @!p0 $0xFFFFF086;
	s6 =	sadd.s32 @!p0 s3, s7;
	s7 =	simm.s32 @!p0 $0x108  }
0x21: {  	s3 =	sadd.s32 s3, s9;
	s6 =	sadd.s32 @!p0 $0x88, s6;
	s7 =	simm.s32 @p2 $0x1082  }
0x22: {  	[simem:s7], [sflag:s8] =	dma.local @!p0 [hbm:s6], $0xF7A  }
0x23: {  	s9 =	sor.u32 $0xD0000000, s2;
	s6 =	simm.s32 $0x108;
	_ =	swait.ge @!p0 [sflag:s8], $0x0  }
0x24: {  	s3 =	sadd.s32 $0x88, s3;
	s6 =	simm.s32 @!p1 $0x1082;
	[sflag:s4] =	ssyncset.s32 $0xFFFFF086  }
0x25: {  	[simem:s6], [sflag:s4] =	dma.local [hbm:s3], $0xF7A  }
0x26: {  	[smem:$0x3F9F] =	sst s1;
	(tag) =	ssettag s2;
	_ =	strace s9  }
0x27: {  	s1 =	sld [smem:$0x3FAF]  }
0x28: {  	s2 =	sld [smem:$0x3FB0]  }
0x29: {  	s4 =	sld [smem:$0x3FB2]  }
0x2a: {  	p0 =	seq.s32 s5, $0x0;
	s5 =	sld [smem:$0x3FB3]  }
0x2b: {  	s6 =	sld [smem:$0x3FB4]  }
0x2c: {  	s7 =	sld [smem:$0x3FB5]  }
0x2d: {  	s3 =	simm.s32 $0x108;
	s8 =	sld [smem:$0x3FB6]  }
0x2e: {  	s3 =	simm.s32 @!p0 $0x1082;
	s9 =	sld [smem:$0x3FB7]  }
0x2f: {  	lr =	sadd.s32 s0, s3;
	s0 =	sld [smem:$0x3FAE]  }
0x30: {  	s3 =	sld [smem:$0x3FB1]  }
0x31: {  	[smem:$0x3FBA] =	sst s10  }
0x32: {  	s10 =	sld [smem:$0x3FB8];
	_ =	sdelay $0x3  }
0x33: {  	p0 =	seq.s32 s10, $0x1;
	s10 =	sld [smem:$0x3FBA];
	_ =	sdelay $0x3  }
0x34: {  	[smem:$0x3FBA] =	sst s10  }
0x35: {  	s10 =	sld [smem:$0x3FB9];
	_ =	sdelay $0x3  }
0x36: {  	p1 =	seq.s32 s10, $0x1;
	s10 =	sld [smem:$0x3FBA];
	_ =	sdelay $0x3  }
0x37: {  	[smem:$0x3FBA] =	sst s10  }
0x38: {  	s10 =	sld [smem:$0x3FBB]  }
0x39: {  	_ = 	snop;
	(pc) =	sbr.ind lr, $3  }
0x3a: {  	_ = 	snop  }
0x3b: {  	_ = 	snop  }
0x3c: {  	p2 =	seq.s32 s10, $0x1;
	s10 =	sld [smem:$0x3FBA]  }
0x3d: {  	_ =	shalt  }
0x3e: {  	_ =	shalt  }
0x3f: {  	_ =	shalt  }
0x40: {  	_ =	shalt  }
0x41: {  	_ =	shalt  }
0x42: {  	_ =	shalt  }
0x43: {  	_ =	shalt  }
0x44: {  	_ =	shalt  }
0x45: {  	_ =	shalt  }
0x46: {  	_ =	shalt  }
0x47: {  	_ =	shalt  }
0x48: {  	_ =	shalt  }
0x49: {  	_ =	shalt  }
0x4a: {  	_ =	shalt  }
0x4b: {  	_ =	shalt  }
0x4c: {  	_ =	shalt  }
0x4d: {  	_ =	shalt  }
0x4e: {  	_ =	shalt  }
0x4f: {  	_ =	shalt  }
0x50: {  	_ =	shalt  }
0x51: {  	_ =	shalt  }
0x52: {  	_ =	shalt  }
0x53: {  	_ =	shalt  }
0x54: {  	_ =	shalt  }
0x55: {  	_ =	shalt  }
0x56: {  	_ =	shalt  }
0x57: {  	_ =	shalt  }
0x58: {  	_ =	shalt  }
0x59: {  	_ =	shalt  }
0x5a: {  	_ =	shalt  }
0x5b: {  	_ =	shalt  }
0x5c: {  	_ =	shalt  }
0x5d: {  	_ =	shalt  }
0x5e: {  	_ =	shalt  }
0x5f: {  	_ =	shalt  }
0x60: {  	_ =	shalt  }
0x61: {  	_ =	shalt  }
0x62: {  	_ =	shalt  }
0x63: {  	_ =	shalt  }
0x64: {  	_ =	shalt  }
0x65: {  	_ =	shalt  }
0x66: {  	_ =	shalt  }
0x67: {  	_ =	shalt  }
0x68: {  	_ =	shalt  }
0x69: {  	_ =	shalt  }
0x6a: {  	_ =	shalt  }
0x6b: {  	_ =	shalt  }
0x6c: {  	_ =	shalt  }
0x6d: {  	_ =	shalt  }
0x6e: {  	_ =	shalt  }
0x6f: {  	_ =	shalt  }
0x70: {  	_ =	shalt  }
0x71: {  	_ =	shalt  }
0x72: {  	_ =	shalt  }
0x73: {  	_ =	shalt  }
0x74: {  	_ =	shalt  }
0x75: {  	_ =	shalt  }
0x76: {  	_ =	shalt  }
0x77: {  	_ =	shalt  }
0x78: {  	_ =	shalt  }
0x79: {  	_ =	shalt  }
0x7a: {  	_ =	shalt  }
0x7b: {  	_ =	shalt  }
0x7c: {  	_ =	shalt  }
0x7d: {  	_ =	shalt  }
0x7e: {  	_ =	shalt  }
0x7f: {  	_ =	shalt  }
0x80: {  	_ =	shalt  }
0x81: {  	_ =	shalt  }
0x82: {  	_ =	shalt  }
0x83: {  	_ =	shalt  }
0x84: {  	_ =	shalt  }
0x85: {  	_ =	shalt  }
0x86: {  	_ =	shalt  }
0x87: {  	_ =	shalt  }
.Lfunc_end0:
.L_simem_size_0:
called_computation_lowered:
.L_overlay_start_0:
0x88: {  	s2 =	sld [smem:$0x3FD9]  }
0x89: {  	s3 =	sld [smem:$0x3FFE];
	_ =	sdelay $0x1  }
0x8a: {  	s1 =	srdreg.scid  }
0x8b: {  	s0 =	sand.u32 $0x1, s1  }
0x8c: {  	s14 =	sshll.u32 s0, $0xA;
	s2 =	sadd.s32 s3, s2  }
0x8d: {  	s2 =	sadd.s32 s2, s14  }
0x8e: {  	[smem:$0x3FC6] =	sst s2  }
0x8f: {  	_ = 	snop  }
0x90: {  	s2 =	sld [smem:$0x3FD0];
	_ =	sdelay $0x2  }
0x91: {  	s4 =	simm.s32 $0xA;
	s5 =	simm.s32 $0x10;
	s15 =	sld [smem:$0x3FC8]  }
0x92: {  	[smem:s5], [sflag:s4] =	dma.local [hbm:s2], $0x1  }
0x93: {  	_ =	swait.eq [sflag:s4], $0x1  }
0x94: {  	[sflag:s4] =	ssyncset.done $0x0  }
0x95: {  	s16 =	sld [smem:$0x10];
	[sflag:s4] =	ssyncadd.s32 $0xFFFFFFFF  }
0x96: {  	s17 =	sld [smem:$0x11];
	(tm) =	ssettm $0x1  }
0x97: {  	s18 =	sld [smem:$0x3FFB];
	_ =	sdelay $0x3  }
0x98: {  	_ =	strace s18  }
0x99: {  	s5 =	sld [smem:$0x3FFC];
	_ =	sdelay $0x3  }
0x9a: {  	_ =	strace s5  }
0x9b: {  	s5 =	sld [smem:$0x3FFD];
	_ =	sdelay $0x3  }
0x9c: {  	_ =	strace s5  }
0x9d: {  	_ =	strace $0x8FFFFFFF  }
0x9e: {  	s19 =	sld [smem:$0x3FDB];
	_ =	sdelay $0x1  }
0x9f: {  	s6 =	simm.s32 $_scs_section_size  }
0xa0: {  	s7 =	simm.s32 $_size__tile_overlayer_lowered;
	s8 =	simm.s32 $_tile_overlayer_lowered  }
0xa1: {  	s22 =	simm.s32 $0x1BFF;
	s21 =	sshll.u32 s8, $0x1;
	s5 =	sadd.s32 s6, s19  }
0xa2: {  	s9 =	simm.s32 $0x0;
	s20 =	sshll.u32 s7, $0x1;
	s7 =	sadd.s32 s21, s5  }
0xa3: {  	[timem:s9], [sflag:s22] =	dma.local [hbm:s7], s20  }
0xa4: {  	_ =	swait.ge [sflag:s22], s20  }
0xa5: {  	s6 =	ssub.s32 $0x0, s20;
	[sflag:s22] =	ssyncset.done $0x0  }
0xa6: {  	[sflag:s22] =	ssyncadd.s32 s6;
	_ =	sdelay $0x1  }
0xa7: {  	s23 =	simm.s32 $0x1B8B  }
0xa8: {  	_ =	swait.ge [sflag:s23], $0x1  }
0xa9: {  	[sflag:s23] =	ssyncset.done $0x0  }
0xaa: {  	s25 =	simm.s32 $0x1B8E;
	s24 =	sld [smem:$0x3FFE];
	[sflag:s23] =	ssyncadd.s32 $0xFFFFFFFF  }
0xab: {  	s26 =	simm.s32 $execute0_lowered;
	[smem:$0x3FD2] =	sst s25  }
0xac: {  	s7 =	sshll.u32 s26, $0x1;
	_ =	strace $0x80000046;
	[dreg:$0x1] =	wrdreg $0xFFFFFFFF  }
0xad: {  	s28 =	simm.s32 $_size_execute0_lowered;
	s5 =	sadd.s32 s5, s7;
	[dreg:$0x0] =	wrdreg $0x0  }
0xae: {  	s7 =	sshll.u32 s28, $0x1;
	[dreg:$0x2] =	wrdreg s5  }
0xaf: {  	[dreg:$0x3] =	wrdreg s7  }
0xb0: {  	[dreg:$0x4] =	wrdreg $0xC0  }
0xb1: {  	_ =	task [dreg:s9], $0x5FFFF  }
0xb2: {  	[dreg:$0x1] =	wrdreg $0xFFFFFFFF  }
0xb3: {  	[dreg:$0x0] =	wrdreg $0x60  }
0xb4: {  	[dreg:$0x2] =	wrdreg s24  }
0xb5: {  	[dreg:$0x3] =	wrdreg s15  }
0xb6: {  	[dreg:$0x4] =	wrdreg s16  }
0xb7: {  	[dreg:$0x5] =	wrdreg s17  }
0xb8: {  	[dreg:$0x6] =	wrdreg $0x9  }
0xb9: {  	_ =	task.clear_ibuf [dreg:s9], $0x7FFFF;
	_ =	strace $0x90000046  }
0xba: {  	s29 =	simm.s32 $0x9;
	_ =	strace $0x80000048  }
0xbb: {  	_ =	swait.ge [sflag:s29], $0x1  }
0xbc: {  	[sflag:s29] =	ssyncadd.s32 $0xFFFFFFFF  }
0xbd: {  	_ =	strace $0x90000048  }
0xbe: {  	_ =	sfence  }
0xbf: {  	s30 =	sld [smem:$0x0];
	_ =	sdelay $0x2  }
0xc0: {  	s31 =	sshll.u32 s1, $0xD;
	s1 =	sshrl.u32 s1, $0x2  }
0xc1: {  	s3 =	sand.u32 $0x4000, s31;
	s1 =	sadd.s32 s1, s30  }
0xc2: {  	s0 =	sor.u32 s3, s0;
	s1 =	sshll.u32 s1, $0x11  }
0xc3: {  	s0 =	sor.u32 s1, s0  }
0xc4: {  	s0 =	sadd.s32 $0x8F2B, s0  }
0xc5: {  	[sflag:s0] =	ssyncadd.remote.s32 $0x1  }
0xc6: {  	_ =	sfence.sel $0xFFFF  }
0xc7: {  	[dreg:$0x0] =	wrdreg $0xFFFFFFFF;
	(pc) =	sbr.abs _section_cstart, $3  }
0xc8: {  	[dreg:$0x1] =	wrdreg $0xFFFFFFFF  }
0xc9: {  	_ =	task.clear_ibuf [dreg:s9], $0x2FFFF;
	_ =	strace $0x9FFFFFFF  }
0xca: {  	(tm) =	ssettm $0x7FFFFFFF  }
0xcb: {  	_ =	shalt  }
tec
execute0_lowered:
.L_overlay_start_1:
0x0: {  	(tag) =	ssettag $0x1  }
0x1: {  	s0 =	rddreg [dreg:$0x0];
	s2 =	srdreg.scid  }
0x2: {  	s1 =	rddreg [dreg:$0x1];
	s3 =	stileid.u32;
	s2 =	sand.u32 $0x1, s2  }
0x3: {  	s17 =	rddreg [dreg:$0x2];
	s3 =	sshll.u32 s3, $0x6;
	s4 =	sshll.u32 s2, $0x5  }
0x4: {  	s18 =	rddreg [dreg:$0x3];
	s12 =	sor.u32 s4, s3;
	s3 =	simm.s32 $0x0  }
0x5: {  	s5 =	sadd.s32 $0x200, s1;
	[smem:$0x7FF] =	sst s3  }
0x6: {  	s6 =	sadd.s32 $0x300, s1;
	_ =	strace $0x80000047;
	[dreg:$0xf] =	wrdreg s5  }
0x7: {  	s7 =	sadd.s32 $0x400, s1;
	[dreg:$0x10] =	wrdreg s6  }
0x8: {  	s8 =	sadd.s32 $0x500, s1;
	[dreg:$0x11] =	wrdreg s7  }
0x9: {  	s9 =	sadd.s32 $0x600, s1;
	[dreg:$0x12] =	wrdreg s8  }
0xa: {  	s10 =	sadd.s32 $0x700, s1;
	[dreg:$0x13] =	wrdreg s9  }
0xb: {  	s11 =	sadd.s32 $0x800, s1;
	[dreg:$0x14] =	wrdreg s10  }
0xc: {  	s20 =	sadd.s32 $0x900, s1;
	[dreg:$0x15] =	wrdreg s11  }
0xd: {  	s21 =	sadd.s32 $0xA00, s1;
	s22 =	sadd.s32 $0xB00, s1;
	[dreg:$0x16] =	wrdreg s20  }
0xe: {  	s24 =	sadd.s32 $0xC00, s1;
	s2 =	ssub.s32 $0x2, s2;
	[dreg:$0x17] =	wrdreg s21  }
0xf: {  	s26 =	sadd.s32 $0xD00, s1;
	s30 =	sshrl.u32 s2, $0x1;
	[dreg:$0x18] =	wrdreg s22  }
0x10: {  	s4 =	sshrl.u32 s12, $0x3;
	s2 =	ssub.s32 s2, s30;
	[dreg:$0x19] =	wrdreg s24  }
0x11: {  	s13 =	sshll.u32 s12, $0x9;
	s30 =	sadd.s32 $0xE00, s1;
	[dreg:$0x1a] =	wrdreg s26  }
0x12: {  	s0 =	sadd.s32 s4, s0;
	s4 =	sadd.s32 $0x100, s1;
	[dreg:$0x1b] =	wrdreg s30  }
0x13: {  	s28 =	simm.s32 $0x5080;
	s14 =	sadd.s32 s17, s13;
	[dreg:$0xe] =	wrdreg s4  }
0x14: {  	s31 =	simm.s32 $0x6080;
	s15 =	sadd.s32 s18, s13;
	[dreg:$0x6] =	wrdreg s14  }
0x15: {  	s16 =	sor.u32 $0x1000, s13;
	s0 =	sadd.s32 $0x600, s0;
	[dreg:$0x7] =	wrdreg s15  }
0x16: {  	s12 =	simm.s32 $0x4;
	s23 =	sadd.s32 s17, s16;
	[dreg:$0x5] =	wrdreg s0  }
0x17: {  	s19 =	sor.u32 $0x2000, s13;
	s16 =	sadd.s32 s18, s16;
	[dreg:$0x8] =	wrdreg s23  }
0x18: {  	s26 =	simm.s32 $0x80;
	s25 =	sadd.s32 s17, s19;
	[dreg:$0x9] =	wrdreg s16  }
0x19: {  	s19 =	sadd.s32 s18, s19;
	[dreg:$0xa] =	wrdreg s25;
	s0 =	sor.u32 $0x3000, s13  }
0x1a: {  	v0 =	vlaneseq.u32;
	[dreg:$0xb] =	wrdreg s19;
	s13 =	sadd.s32 $0xF00, s1;
	s29 =	sadd.s32 s17, s0  }
0x1b: {  	v1 =	vshrl.u32 v0, $0x3;
	s19 =	smax.u32 s2, $0x1;
	s0 =	sadd.s32 s18, s0;
	[dreg:$0xc] =	wrdreg s29  }
0x1c: {  	vm0 =	vmmov $0xffff;
	v0 =	vand.u32 $0x7, v0;
	v1 =	vmul.u32 $0x8, v1;
	s25 =	simm.s32 $0x4880;
	s18 =	simm.s32 $0x1;
	[dreg:$0xd] =	wrdreg s0  }
.LBB2_1:
0x1d: {  	s29 =	rddreg [dreg:$0x5];
	s2 =	simm.s32 $0x7  }
0x1e: {  	[tilespmem:s3], [sflag:$0x7] =	stream.linear.gather [hbm4b:s29+s3], $0x20, $0x38;
	[tilespmem:$0x10080] =	vst v63  }
0x1f: {  	_ =	swait.ge [sflag:s2], $0x20  }
0x20: {  	[sflag:s2] =	ssyncset.done $0x0  }
0x21: {  	[sflag:s2] =	ssyncadd.s32 $0xFFFFFFE0  }
0x22: {  	v2 =	vld.msk [tilespmem:$0x0], $0xff;
	_ =	sdelay $0x4  }
0x23: {  	v3 =	vshll.u32 v2, $0x5  }
0x24: {  	v2 =	vand.u32 $0x7, v2;
	v3 =	vand.u32 $0xFFFFFF00, v3  }
0x25: {  	v2 =	vor.u32 v2, v3  }
0x26: {  	v2 =	vperm.xlane v2, v0;
	_ =	sdelay $0x1  }
0x27: {  	v2 =	vadd.s32 v1, v2;
	_ =	sdelay $0x3  }
0x28: {  	s21 =	rddreg [dreg:$0x1]  }
0x29: {  	[tilespmem:s26], [sflag:$0x1] =	stream.indirect_vreg.gather [hbm4b:s21+s3], $0x80, v2, vm0, $0xb8;
	[tilespmem:$0x10080] =	vst v63  }
0x2a: {  	s0 =	simm.s32 $0x880;
	s5 =	rddreg [dreg:$0xe]  }
0x2b: {  	[tilespmem:s0], [sflag:$0x1] =	stream.indirect_vreg.gather [hbm4b:s5+s3], $0x80, v2, vm0, $0xb8;
	[tilespmem:$0x10080] =	vst v63  }
0x2c: {  	s23 =	simm.s32 $0x1080;
	s6 =	rddreg [dreg:$0xf]  }
0x2d: {  	[tilespmem:s23], [sflag:$0x1] =	stream.indirect_vreg.gather [hbm4b:s6+s3], $0x80, v2, vm0, $0xb8;
	[tilespmem:$0x10080] =	vst v63  }
0x2e: {  	s24 =	simm.s32 $0x1880;
	s7 =	rddreg [dreg:$0x10]  }
0x2f: {  	[tilespmem:s24], [sflag:$0x1] =	stream.indirect_vreg.gather [hbm4b:s7+s3], $0x80, v2, vm0, $0xb8;
	[tilespmem:$0x10080] =	vst v63  }
0x30: {  	s29 =	simm.s32 $0x2080;
	s8 =	rddreg [dreg:$0x11]  }
0x31: {  	[tilespmem:s29], [sflag:$0x1] =	stream.indirect_vreg.gather [hbm4b:s8+s3], $0x80, v2, vm0, $0xb8;
	[tilespmem:$0x10080] =	vst v63  }
0x32: {  	s30 =	simm.s32 $0x2880;
	s9 =	rddreg [dreg:$0x12]  }
0x33: {  	[tilespmem:s30], [sflag:$0x1] =	stream.indirect_vreg.gather [hbm4b:s9+s3], $0x80, v2, vm0, $0xb8;
	[tilespmem:$0x10080] =	vst v63  }
0x34: {  	s1 =	simm.s32 $0x3080;
	s10 =	rddreg [dreg:$0x13]  }
0x35: {  	[tilespmem:s1], [sflag:$0x1] =	stream.indirect_vreg.gather [hbm4b:s10+s3], $0x80, v2, vm0, $0xb8;
	[tilespmem:$0x10080] =	vst v63  }
0x36: {  	s11 =	rddreg [dreg:$0x14];
	s2 =	simm.s32 $0x3880  }
0x37: {  	[tilespmem:s2], [sflag:$0x1] =	stream.indirect_vreg.gather [hbm4b:s11+s3], $0x80, v2, vm0, $0xb8;
	[tilespmem:$0x10080] =	vst v63  }
0x38: {  	s14 =	simm.s32 $0x4080;
	s0 =	rddreg [dreg:$0x15]  }
0x39: {  	[tilespmem:s14], [sflag:$0x1] =	stream.indirect_vreg.gather [hbm4b:s0+s3], $0x80, v2, vm0, $0xb8;
	[tilespmem:$0x10080] =	vst v63  }
0x3a: {  	s22 =	rddreg [dreg:$0x16]  }
0x3b: {  	[tilespmem:s25], [sflag:$0x1] =	stream.indirect_vreg.gather [hbm4b:s22+s3], $0x80, v2, vm0, $0xb8;
	[tilespmem:$0x10080] =	vst v63  }
0x3c: {  	s23 =	rddreg [dreg:$0x17]  }
0x3d: {  	[tilespmem:s28], [sflag:$0x1] =	stream.indirect_vreg.gather [hbm4b:s23+s3], $0x80, v2, vm0, $0xb8;
	[tilespmem:$0x10080] =	vst v63  }
0x3e: {  	s15 =	simm.s32 $0x5880;
	s24 =	rddreg [dreg:$0x18]  }
0x3f: {  	[tilespmem:s15], [sflag:$0x1] =	stream.indirect_vreg.gather [hbm4b:s24+s3], $0x80, v2, vm0, $0xb8;
	[tilespmem:$0x10080] =	vst v63  }
0x40: {  	s16 =	rddreg [dreg:$0x19]  }
0x41: {  	[tilespmem:s31], [sflag:$0x1] =	stream.indirect_vreg.gather [hbm4b:s16+s3], $0x80, v2, vm0, $0xb8;
	[tilespmem:$0x10080] =	vst v63  }
0x42: {  	s17 =	rddreg [dreg:$0x1a];
	s1 =	simm.s32 $0x6880  }
0x43: {  	[tilespmem:s1], [sflag:$0x1] =	stream.indirect_vreg.gather [hbm4b:s17+s3], $0x80, v2, vm0, $0xb8;
	[tilespmem:$0x10080] =	vst v63  }
0x44: {  	s20 =	simm.s32 $0x7080;
	s1 =	rddreg [dreg:$0x1b]  }
0x45: {  	[tilespmem:s20], [sflag:$0x1] =	stream.indirect_vreg.gather [hbm4b:s1+s3], $0x80, v2, vm0, $0xb8;
	[tilespmem:$0x10080] =	vst v63  }
0x46: {  	s4 =	simm.s32 $0x7880  }
0x47: {  	[tilespmem:s4], [sflag:$0x1] =	stream.indirect_vreg.gather [hbm4b:s13+s3], $0x80, v2, vm0, $0xb8;
	[tilespmem:$0x10080] =	vst v63  }
0x48: {  	v2 =	vld.msk [tilespmem:$0x8], $0xff;
	_ =	sdelay $0x4  }
0x49: {  	v3 =	vshll.u32 v2, $0x5  }
0x4a: {  	v2 =	vand.u32 $0x7, v2;
	v3 =	vand.u32 $0xFFFFFF00, v3  }
0x4b: {  	v2 =	vor.u32 v2, v3  }
0x4c: {  	v2 =	vperm.xlane v2, v0;
	_ =	sdelay $0x1  }
0x4d: {  	v2 =	vadd.s32 v1, v2;
	_ =	sdelay $0x3  }
0x4e: {  	s2 =	simm.s32 $0x8080  }
0x4f: {  	[tilespmem:s2], [sflag:$0x2] =	stream.indirect_vreg.gather [hbm4b:s21+s3], $0x80, v2, vm0, $0xb8;
	[tilespmem:$0x10080] =	vst v63  }
0x50: {  	s4 =	simm.s32 $0x8880  }
0x51: {  	[tilespmem:s4], [sflag:$0x2] =	stream.indirect_vreg.gather [hbm4b:s5+s3], $0x80, v2, vm0, $0xb8;
	[tilespmem:$0x10080] =	vst v63  }
0x52: {  	s29 =	simm.s32 $0x9080  }
0x53: {  	[tilespmem:s29], [sflag:$0x2] =	stream.indirect_vreg.gather [hbm4b:s6+s3], $0x80, v2, vm0, $0xb8;
	[tilespmem:$0x10080] =	vst v63  }
0x54: {  	s30 =	simm.s32 $0x9880  }
0x55: {  	[tilespmem:s30], [sflag:$0x2] =	stream.indirect_vreg.gather [hbm4b:s7+s3], $0x80, v2, vm0, $0xb8;
	[tilespmem:$0x10080] =	vst v63  }
0x56: {  	s29 =	simm.s32 $0xA080  }
0x57: {  	[tilespmem:s29], [sflag:$0x2] =	stream.indirect_vreg.gather [hbm4b:s8+s3], $0x80, v2, vm0, $0xb8;
	[tilespmem:$0x10080] =	vst v63  }
0x58: {  	s30 =	simm.s32 $0xA880  }
0x59: {  	[tilespmem:s30], [sflag:$0x2] =	stream.indirect_vreg.gather [hbm4b:s9+s3], $0x80, v2, vm0, $0xb8;
	[tilespmem:$0x10080] =	vst v63  }
0x5a: {  	s29 =	simm.s32 $0xB080  }
0x5b: {  	[tilespmem:s29], [sflag:$0x2] =	stream.indirect_vreg.gather [hbm4b:s10+s3], $0x80, v2, vm0, $0xb8;
	[tilespmem:$0x10080] =	vst v63  }
0x5c: {  	s30 =	simm.s32 $0xB880  }
0x5d: {  	[tilespmem:s30], [sflag:$0x2] =	stream.indirect_vreg.gather [hbm4b:s11+s3], $0x80, v2, vm0, $0xb8;
	[tilespmem:$0x10080] =	vst v63  }
0x5e: {  	s29 =	simm.s32 $0xC080  }
0x5f: {  	[tilespmem:s29], [sflag:$0x2] =	stream.indirect_vreg.gather [hbm4b:s0+s3], $0x80, v2, vm0, $0xb8;
	[tilespmem:$0x10080] =	vst v63  }
0x60: {  	s30 =	simm.s32 $0xC880  }
0x61: {  	[tilespmem:s30], [sflag:$0x2] =	stream.indirect_vreg.gather [hbm4b:s22+s3], $0x80, v2, vm0, $0xb8;
	[tilespmem:$0x10080] =	vst v63  }
0x62: {  	s29 =	simm.s32 $0xD080  }
0x63: {  	[tilespmem:s29], [sflag:$0x2] =	stream.indirect_vreg.gather [hbm4b:s23+s3], $0x80, v2, vm0, $0xb8;
	[tilespmem:$0x10080] =	vst v63  }
0x64: {  	s30 =	simm.s32 $0xD880  }
0x65: {  	[tilespmem:s30], [sflag:$0x2] =	stream.indirect_vreg.gather [hbm4b:s24+s3], $0x80, v2, vm0, $0xb8;
	[tilespmem:$0x10080] =	vst v63  }
0x66: {  	s29 =	simm.s32 $0xE080  }
0x67: {  	[tilespmem:s29], [sflag:$0x2] =	stream.indirect_vreg.gather [hbm4b:s16+s3], $0x80, v2, vm0, $0xb8;
	[tilespmem:$0x10080] =	vst v63  }
0x68: {  	s30 =	simm.s32 $0xE880  }
0x69: {  	[tilespmem:s30], [sflag:$0x2] =	stream.indirect_vreg.gather [hbm4b:s17+s3], $0x80, v2, vm0, $0xb8;
	[tilespmem:$0x10080] =	vst v63  }
0x6a: {  	s29 =	simm.s32 $0xF080  }
0x6b: {  	[tilespmem:s29], [sflag:$0x2] =	stream.indirect_vreg.gather [hbm4b:s1+s3], $0x80, v2, vm0, $0xb8;
	[tilespmem:$0x10080] =	vst v63  }
0x6c: {  	s30 =	simm.s32 $0xF880  }
0x6d: {  	[tilespmem:s30], [sflag:$0x2] =	stream.indirect_vreg.gather [hbm4b:s13+s3], $0x80, v2, vm0, $0xb8;
	[tilespmem:$0x10080] =	vst v63  }
0x6e: {  	_ =	swait.ge [sflag:s18], $0x8000  }
0x6f: {  	[sflag:s18] =	ssyncset.done $0x0  }
0x70: {  	s4 =	rddreg [dreg:$0x6];
	[sflag:s18] =	ssyncadd.s32 $0xFFFF8000  }
0x71: {  	[hbm4b:s4+s3] =	stream.linear.scatter [tilespmem:s26], [sflag:$0x3], $0x8000, $0x38;
	[tilespmem:$0x10080] =	vst v63  }
0x72: {  	s30 =	rddreg [dreg:$0x7];
	s4 =	simm.s32 $0x3  }
0x73: {  	[hbm4b:s30+s3] =	stream.linear.scatter [tilespmem:s26], [sflag:$0x4], $0x8000, $0x38;
	[tilespmem:$0x10080] =	vst v63  }
0x74: {  	_ =	swait.ge [sflag:s4], $0x8000  }
0x75: {  	[sflag:s4] =	ssyncset.done $0x0  }
0x76: {  	[sflag:s4] =	ssyncadd.s32 $0xFFFF8000  }
0x77: {  	_ =	swait.ge [sflag:s12], $0x8000  }
0x78: {  	[sflag:s12] =	ssyncset.done $0x0  }
0x79: {  	[sflag:s12] =	ssyncadd.s32 $0xFFFF8000  }
0x7a: {  	v2 =	vld.msk [tilespmem:$0x10], $0xff;
	_ =	sdelay $0x4  }
0x7b: {  	v3 =	vshll.u32 v2, $0x5  }
0x7c: {  	v2 =	vand.u32 $0x7, v2;
	v3 =	vand.u32 $0xFFFFFF00, v3  }
0x7d: {  	v2 =	vor.u32 v2, v3  }
0x7e: {  	v2 =	vperm.xlane v2, v0;
	_ =	sdelay $0x1  }
0x7f: {  	v2 =	vadd.s32 v1, v2;
	_ =	sdelay $0x4  }
0x80: {  	[tilespmem:s26], [sflag:$0x1] =	stream.indirect_vreg.gather [hbm4b:s21+s3], $0x80, v2, vm0, $0xb8;
	[tilespmem:$0x10080] =	vst v63  }
0x81: {  	s30 =	simm.s32 $0x880  }
0x82: {  	[tilespmem:s30], [sflag:$0x1] =	stream.indirect_vreg.gather [hbm4b:s5+s3], $0x80, v2, vm0, $0xb8;
	[tilespmem:$0x10080] =	vst v63  }
0x83: {  	s30 =	simm.s32 $0x1080  }
0x84: {  	[tilespmem:s30], [sflag:$0x1] =	stream.indirect_vreg.gather [hbm4b:s6+s3], $0x80, v2, vm0, $0xb8;
	[tilespmem:$0x10080] =	vst v63  }
0x85: {  	s30 =	simm.s32 $0x1880  }
0x86: {  	[tilespmem:s30], [sflag:$0x1] =	stream.indirect_vreg.gather [hbm4b:s7+s3], $0x80, v2, vm0, $0xb8;
	[tilespmem:$0x10080] =	vst v63  }
0x87: {  	s30 =	simm.s32 $0x2080  }
0x88: {  	[tilespmem:s30], [sflag:$0x1] =	stream.indirect_vreg.gather [hbm4b:s8+s3], $0x80, v2, vm0, $0xb8;
	[tilespmem:$0x10080] =	vst v63  }
0x89: {  	s30 =	simm.s32 $0x2880  }
0x8a: {  	[tilespmem:s30], [sflag:$0x1] =	stream.indirect_vreg.gather [hbm4b:s9+s3], $0x80, v2, vm0, $0xb8;
	[tilespmem:$0x10080] =	vst v63  }
0x8b: {  	s30 =	simm.s32 $0x3080  }
0x8c: {  	[tilespmem:s30], [sflag:$0x1] =	stream.indirect_vreg.gather [hbm4b:s10+s3], $0x80, v2, vm0, $0xb8;
	[tilespmem:$0x10080] =	vst v63  }
0x8d: {  	s30 =	simm.s32 $0x3880  }
0x8e: {  	[tilespmem:s30], [sflag:$0x1] =	stream.indirect_vreg.gather [hbm4b:s11+s3], $0x80, v2, vm0, $0xb8;
	[tilespmem:$0x10080] =	vst v63  }
0x8f: {  	_ = 	snop  }
0x90: {  	[tilespmem:s14], [sflag:$0x1] =	stream.indirect_vreg.gather [hbm4b:s0+s3], $0x80, v2, vm0, $0xb8;
	[tilespmem:$0x10080] =	vst v63  }
0x91: {  	_ = 	snop  }
0x92: {  	[tilespmem:s25], [sflag:$0x1] =	stream.indirect_vreg.gather [hbm4b:s22+s3], $0x80, v2, vm0, $0xb8;
	[tilespmem:$0x10080] =	vst v63  }
0x93: {  	_ = 	snop  }
0x94: {  	[tilespmem:s28], [sflag:$0x1] =	stream.indirect_vreg.gather [hbm4b:s23+s3], $0x80, v2, vm0, $0xb8;
	[tilespmem:$0x10080] =	vst v63  }
0x95: {  	_ = 	snop  }
0x96: {  	[tilespmem:s15], [sflag:$0x1] =	stream.indirect_vreg.gather [hbm4b:s24+s3], $0x80, v2, vm0, $0xb8;
	[tilespmem:$0x10080] =	vst v63  }
0x97: {  	_ = 	snop  }
0x98: {  	[tilespmem:s31], [sflag:$0x1] =	stream.indirect_vreg.gather [hbm4b:s16+s3], $0x80, v2, vm0, $0xb8;
	[tilespmem:$0x10080] =	vst v63  }
0x99: {  	s29 =	simm.s32 $0x6880  }
0x9a: {  	[tilespmem:s29], [sflag:$0x1] =	stream.indirect_vreg.gather [hbm4b:s17+s3], $0x80, v2, vm0, $0xb8;
	[tilespmem:$0x10080] =	vst v63  }
0x9b: {  	_ = 	snop  }
0x9c: {  	[tilespmem:s20], [sflag:$0x1] =	stream.indirect_vreg.gather [hbm4b:s1+s3], $0x80, v2, vm0, $0xb8;
	[tilespmem:$0x10080] =	vst v63  }
0x9d: {  	s30 =	simm.s32 $0x7880;
	s14 =	simm.s32 $0x2  }
0x9e: {  	[tilespmem:s30], [sflag:$0x1] =	stream.indirect_vreg.gather [hbm4b:s13+s3], $0x80, v2, vm0, $0xb8;
	[tilespmem:$0x10080] =	vst v63  }
0x9f: {  	_ =	swait.ge [sflag:s14], $0x8000  }
0xa0: {  	[sflag:s14] =	ssyncset.done $0x0  }
0xa1: {  	s15 =	rddreg [dreg:$0x8];
	[sflag:s14] =	ssyncadd.s32 $0xFFFF8000  }
0xa2: {  	[hbm4b:s15+s3] =	stream.linear.scatter [tilespmem:s2], [sflag:$0x5], $0x8000, $0x38;
	[tilespmem:$0x10080] =	vst v63  }
0xa3: {  	s20 =	rddreg [dreg:$0x9];
	s15 =	simm.s32 $0x5  }
0xa4: {  	[hbm4b:s20+s3] =	stream.linear.scatter [tilespmem:s2], [sflag:$0x6], $0x8000, $0x38;
	[tilespmem:$0x10080] =	vst v63  }
0xa5: {  	_ =	swait.ge [sflag:s15], $0x8000  }
0xa6: {  	[sflag:s15] =	ssyncset.done $0x0  }
0xa7: {  	s20 =	simm.s32 $0x6;
	[sflag:s15] =	ssyncadd.s32 $0xFFFF8000  }
0xa8: {  	_ =	swait.ge [sflag:s20], $0x8000  }
0xa9: {  	[sflag:s20] =	ssyncset.done $0x0  }
0xaa: {  	[sflag:s20] =	ssyncadd.s32 $0xFFFF8000  }
0xab: {  	v2 =	vld.msk [tilespmem:$0x18], $0xff;
	_ =	sdelay $0x4  }
0xac: {  	v3 =	vshll.u32 v2, $0x5  }
0xad: {  	v2 =	vand.u32 $0x7, v2;
	v3 =	vand.u32 $0xFFFFFF00, v3  }
0xae: {  	v2 =	vor.u32 v2, v3  }
0xaf: {  	v2 =	vperm.xlane v2, v0;
	_ =	sdelay $0x1  }
0xb0: {  	v2 =	vadd.s32 v1, v2;
	_ =	sdelay $0x4  }
0xb1: {  	[tilespmem:s2], [sflag:$0x2] =	stream.indirect_vreg.gather [hbm4b:s21+s3], $0x80, v2, vm0, $0xb8;
	[tilespmem:$0x10080] =	vst v63  }
0xb2: {  	s29 =	simm.s32 $0x8880  }
0xb3: {  	[tilespmem:s29], [sflag:$0x2] =	stream.indirect_vreg.gather [hbm4b:s5+s3], $0x80, v2, vm0, $0xb8;
	[tilespmem:$0x10080] =	vst v63  }
0xb4: {  	s30 =	simm.s32 $0x9080  }
0xb5: {  	[tilespmem:s30], [sflag:$0x2] =	stream.indirect_vreg.gather [hbm4b:s6+s3], $0x80, v2, vm0, $0xb8;
	[tilespmem:$0x10080] =	vst v63  }
0xb6: {  	s6 =	simm.s32 $0x9880  }
0xb7: {  	[tilespmem:s6], [sflag:$0x2] =	stream.indirect_vreg.gather [hbm4b:s7+s3], $0x80, v2, vm0, $0xb8;
	[tilespmem:$0x10080] =	vst v63  }
0xb8: {  	s7 =	simm.s32 $0xA080  }
0xb9: {  	[tilespmem:s7], [sflag:$0x2] =	stream.indirect_vreg.gather [hbm4b:s8+s3], $0x80, v2, vm0, $0xb8;
	[tilespmem:$0x10080] =	vst v63  }
0xba: {  	s21 =	simm.s32 $0xA880  }
0xbb: {  	[tilespmem:s21], [sflag:$0x2] =	stream.indirect_vreg.gather [hbm4b:s9+s3], $0x80, v2, vm0, $0xb8;
	[tilespmem:$0x10080] =	vst v63  }
0xbc: {  	s29 =	simm.s32 $0xB080  }
0xbd: {  	[tilespmem:s29], [sflag:$0x2] =	stream.indirect_vreg.gather [hbm4b:s10+s3], $0x80, v2, vm0, $0xb8;
	[tilespmem:$0x10080] =	vst v63  }
0xbe: {  	s30 =	simm.s32 $0xB880  }
0xbf: {  	[tilespmem:s30], [sflag:$0x2] =	stream.indirect_vreg.gather [hbm4b:s11+s3], $0x80, v2, vm0, $0xb8;
	[tilespmem:$0x10080] =	vst v63  }
0xc0: {  	s6 =	simm.s32 $0xC080  }
0xc1: {  	[tilespmem:s6], [sflag:$0x2] =	stream.indirect_vreg.gather [hbm4b:s0+s3], $0x80, v2, vm0, $0xb8;
	[tilespmem:$0x10080] =	vst v63  }
0xc2: {  	s7 =	simm.s32 $0xC880  }
0xc3: {  	[tilespmem:s7], [sflag:$0x2] =	stream.indirect_vreg.gather [hbm4b:s22+s3], $0x80, v2, vm0, $0xb8;
	[tilespmem:$0x10080] =	vst v63  }
0xc4: {  	s8 =	simm.s32 $0xD080  }
0xc5: {  	[tilespmem:s8], [sflag:$0x2] =	stream.indirect_vreg.gather [hbm4b:s23+s3], $0x80, v2, vm0, $0xb8;
	[tilespmem:$0x10080] =	vst v63  }
0xc6: {  	s9 =	simm.s32 $0xD880  }
0xc7: {  	[tilespmem:s9], [sflag:$0x2] =	stream.indirect_vreg.gather [hbm4b:s24+s3], $0x80, v2, vm0, $0xb8;
	[tilespmem:$0x10080] =	vst v63  }
0xc8: {  	s10 =	simm.s32 $0xE080  }
0xc9: {  	[tilespmem:s10], [sflag:$0x2] =	stream.indirect_vreg.gather [hbm4b:s16+s3], $0x80, v2, vm0, $0xb8;
	[tilespmem:$0x10080] =	vst v63  }
0xca: {  	s11 =	simm.s32 $0xE880  }
0xcb: {  	[tilespmem:s11], [sflag:$0x2] =	stream.indirect_vreg.gather [hbm4b:s17+s3], $0x80, v2, vm0, $0xb8;
	[tilespmem:$0x10080] =	vst v63  }
0xcc: {  	s16 =	simm.s32 $0xF080  }
0xcd: {  	[tilespmem:s16], [sflag:$0x2] =	stream.indirect_vreg.gather [hbm4b:s1+s3], $0x80, v2, vm0, $0xb8;
	[tilespmem:$0x10080] =	vst v63  }
0xce: {  	s17 =	simm.s32 $0xF880  }
0xcf: {  	[tilespmem:s17], [sflag:$0x2] =	stream.indirect_vreg.gather [hbm4b:s13+s3], $0x80, v2, vm0, $0xb8;
	[tilespmem:$0x10080] =	vst v63  }
0xd0: {  	_ =	swait.ge [sflag:s18], $0x8000  }
0xd1: {  	[sflag:s18] =	ssyncset.done $0x0  }
0xd2: {  	s21 =	rddreg [dreg:$0xa];
	[sflag:s18] =	ssyncadd.s32 $0xFFFF8000  }
0xd3: {  	[hbm4b:s21+s3] =	stream.linear.scatter [tilespmem:s26], [sflag:$0x3], $0x8000, $0x38;
	[tilespmem:$0x10080] =	vst v63  }
0xd4: {  	s22 =	rddreg [dreg:$0xb]  }
0xd5: {  	[hbm4b:s22+s3] =	stream.linear.scatter [tilespmem:s26], [sflag:$0x4], $0x8000, $0x38;
	[tilespmem:$0x10080] =	vst v63  }
0xd6: {  	_ =	swait.ge [sflag:s14], $0x8000  }
0xd7: {  	[sflag:s14] =	ssyncset.done $0x0  }
0xd8: {  	s23 =	rddreg [dreg:$0xc];
	[sflag:s14] =	ssyncadd.s32 $0xFFFF8000  }
0xd9: {  	[hbm4b:s23+s3] =	stream.linear.scatter [tilespmem:s2], [sflag:$0x5], $0x8000, $0x38;
	[tilespmem:$0x10080] =	vst v63  }
0xda: {  	s24 =	rddreg [dreg:$0xd]  }
0xdb: {  	[hbm4b:s24+s3] =	stream.linear.scatter [tilespmem:s2], [sflag:$0x6], $0x8000, $0x38;
	[tilespmem:$0x10080] =	vst v63  }
0xdc: {  	_ =	swait.ge [sflag:s4], $0x8000  }
0xdd: {  	[sflag:s4] =	ssyncset.done $0x0  }
0xde: {  	[sflag:s4] =	ssyncadd.s32 $0xFFFF8000  }
0xdf: {  	_ =	swait.ge [sflag:s12], $0x8000  }
0xe0: {  	[sflag:s12] =	ssyncset.done $0x0  }
0xe1: {  	[sflag:s12] =	ssyncadd.s32 $0xFFFF8000  }
0xe2: {  	p0 =	sne.s32 s19, $0x1;
	_ =	swait.ge [sflag:s15], $0x8000  }
.Ltmp0:
0xe3: {  	[sflag:s15] =	ssyncset.done $0x0;
	(pc) =	sbr.rel @p0 .LBB2_1-.Ltmp0, $4  }
0xe4: {  	[sflag:s15] =	ssyncadd.s32 $0xFFFF8000  }
0xe5: {  	_ =	swait.ge [sflag:s20], $0x8000  }
0xe6: {  	[sflag:s20] =	ssyncset.done $0x0  }
0xe7: {  	s19 =	sadd.s32 $0xFFFFFFFF, s19;
	[sflag:s20] =	ssyncadd.s32 $0xFFFF8000  }
0xe8: {  	_ =	sfence.sel $0x180000  }
0xe9: {  	[bflag:$0x0] =	sbarrier.arrive $0xFFFF  }
0xea: {  	_ =	strace $0x90000047  }
0xeb: {  	s0 =	stileid.u32;
	[bflag:$0x2] =	sbarrier.arrive $0xFFFF  }
0xec: {  	p0 =	sne.s32 s0, $0x0;
	s0 =	rddreg [dreg:$0x4]  }
0xed: {  	s0 =	sadd.s32 @!p0 $0x100000, s0  }
0xee: {  	[sflag:s0] =	ssyncadd.tile.s32 @!p0 $0x1;
	_ =	shalt  }
.Lfunc_end2:
_tile_overlayer_lowered:
.L_overlay_start_2:
0xef: {  	(tag) =	ssettag $0x2  }
0xf0: {  	s0 =	rddreg [dreg:$0x0];
	s2 =	stileid.u32  }
0xf1: {  	s1 =	rddreg [dreg:$0x1];
	p0 =	sne.s32 s2, $0x0  }
0xf2: {  	s3 =	rddreg [dreg:$0x2];
	[bflag:$0x3] =	sbarrier.arrive $0xFFFF;
	s2 =	simm.s32 @!p0 $0x1C07  }
0xf3: {  	[timem:s3], [sflag:s2] =	dma.local @!p0 [hbm:s0], s1  }
0xf4: {  	s0 =	simm.s32 @!p0 $0x7  }
0xf5: {  	_ =	swait.ge @!p0 [sflag:s0], s1  }
0xf6: {  	s1 =	ssub.s32 @!p0 $0x0, s1;
	[sflag:s0] =	ssyncset.done @!p0 $0x0  }
0xf7: {  	[sflag:s0] =	ssyncadd.s32 @!p0 s1  }
0xf8: {  	[bflag:$0x3] =	sbarrier.arrive $0xFFFF  }
0xf9: {  	_ =	shalt  }

</sc_bundles>
